<compile_context>
chip_gen: v7x
topology: tpu7x:2x2x1
jax: 0.10.2.dev20260603
libtpu: 0.0.44.dev20260713+nightly
codegen_flags: <defaults>
</compile_context>

<pallas_src>
import functools

import jax
import jax.numpy as jnp
import numpy as np
from jax import lax
from jax.experimental import pallas as pl
from jax.experimental.pallas import tpu as pltpu
from jax.experimental.pallas import tpu_sc as plsc

B, N, D, E = 16, 2048, 256, 128
NO = N + E
NC, NS, L = 1, 16, 16
NW = NC * NS
PW = (B * E) // NW

_mesh = plsc.VectorSubcoreMesh(
    core_axis_name="c", subcore_axis_name="s", num_cores=NC, num_subcores=NS
)

_GDN = lax.GatherDimensionNumbers(
    offset_dims=(), collapsed_slice_dims=(0,), start_index_map=(0,)
)


@functools.partial(
    pl.kernel,
    out_type=jax.ShapeDtypeStruct((B * E, D), jnp.float32),
    mesh=_mesh,
    scratch_types=[
        pltpu.VMEM((E,), jnp.int32),
        pltpu.VMEM((E,), jnp.int32),
        pltpu.VMEM((E,), jnp.float32),
        pltpu.VMEM((2 * E, D), jnp.float32),
        pltpu.VMEM((E, D), jnp.float32),
        pltpu.SemaphoreType.DMA,
    ],
)
def _sc_edge_lerp(table, eidx, pos, out, g0_v, g1_v, p_v, r_v, o_v, sem):
    wid = lax.axis_index("s") * NC + lax.axis_index("c")
    base = wid * E

    pltpu.sync_copy(eidx.at[0], g0_v)
    pltpu.sync_copy(eidx.at[1], g1_v)
    pltpu.sync_copy(pos, p_v)
    off = wid * N
    for c in range(E // L):
        sl = pl.ds(c * L, L)
        g0_v[sl] = g0_v[sl] + off
        g1_v[sl] = g1_v[sl] + off
    cp0 = pltpu.async_copy(table.at[g0_v], r_v.at[pl.ds(0, E)], sem)
    cp1 = pltpu.async_copy(table.at[g1_v], r_v.at[pl.ds(E, E)], sem)
    cp0.wait()
    cp1.wait()

    def chunk(c, carry):
        pc = p_v[pl.ds(c * L, L)]

        def row(j2, carry2):
            j = c * L + j2
            pj = lax.gather(pc, jnp.full((L, 1), j2, jnp.int32), _GDN,
                            slice_sizes=(1,),
                            mode=lax.GatherScatterMode.PROMISE_IN_BOUNDS)
            qj = 1.0 - pj

            def col(k, carry3):
                sl = pl.ds(k * L, L)
                o_v[j, sl] = r_v[j, sl] * pj + r_v[E + j, sl] * qj
                return carry3

            return lax.fori_loop(0, D // L, col, carry2)

        return lax.fori_loop(0, L, row, carry)

    lax.fori_loop(0, E // L, chunk, 0)
    pltpu.sync_copy(o_v, out.at[pl.ds(base, E)])


def _tc_copy_body(in_ref, out_ref):
    out_ref[:, :N, :] = in_ref[...]


def kernel(inputs, new_pts_pos, unpool_idx):
    table = inputs.reshape(B * N, D)
    eidx = unpool_idx.astype(jnp.int32).T
    edges = _sc_edge_lerp(table, eidx, new_pts_pos)
    edges = edges.reshape(B, E, D)
    main = pl.pallas_call(
        _tc_copy_body,
        grid=(B,),
        in_specs=[pl.BlockSpec((1, N, D), lambda i: (i, 0, 0))],
        out_specs=pl.BlockSpec((1, NO, D), lambda i: (i, 0, 0)),
        out_shape=jax.ShapeDtypeStruct((B, NO, D), jnp.float32),
        compiler_params=pltpu.CompilerParams(
            dimension_semantics=("parallel",)
        ),
    )(inputs)
    return lax.dynamic_update_slice(main, edges, (0, N, 0))

# --- scband reference (transcript-rebuilt; emitter-appended) ---
"""Pipeline reference for scband-gunpooling-67843303407945 (READ-ONLY COPY).

The authoritative reference and input builder live on the scoring server;
editing this copy changes nothing except your own understanding.
"""

import jax, jax.numpy as jnp
import numpy as np

NUM_EDGE = 128
B, N, D = 16, 2048, 256
UNPOOL_IDX_NP = np.stack([np.arange(NUM_EDGE), np.arange(NUM_EDGE) + 1024], axis=1).astype(np.int64)


def setup_inputs(seed: int = 0) -> dict:
    key = jax.random.key(seed)
    k1, _ = jax.random.split(key)
    inputs = jax.random.normal(k1, (B, N, D), dtype=jnp.float32)
    # learned parameter: per-new-point interpolation position, init 0.5 (as in torch module)
    new_pts_pos = jnp.full((NUM_EDGE,), 0.5, dtype=jnp.float32)
    unpool_idx = jnp.asarray(UNPOOL_IDX_NP)
    return {"inputs": inputs, "new_pts_pos": new_pts_pos, "unpool_idx": unpool_idx}


def reference(inputs, new_pts_pos, unpool_idx):
    # inputs: [B, N, D]; unpool_idx: [E, 2] int64; new_pts_pos: [E]
    # gather both endpoint features of each edge -> [B, E, 2, D]
    new_features = jnp.take(inputs, unpool_idx, axis=1)
    # NOTE: torch code calls torch.clamp(..., out=None) and discards the result -> no-op; kept faithful.
    w = jnp.concatenate([new_pts_pos.reshape(-1, 1), 1.0 - new_pts_pos.reshape(-1, 1)], axis=1)  # [E, 2]
    w = w.reshape(new_features.shape[1], 2, 1)  # [E, 2, 1], broadcasts over batch and feature dims
    features = new_features * w  # [B, E, 2, D]
    new_vertices = jnp.sum(features, axis=2)  # [B, E, D]
    output = jnp.concatenate([inputs, new_vertices], axis=1)  # [B, N+E, D]
    return output

if __name__ == "__main__":
    import jax
    _d = setup_inputs()
    print(jax.jit(kernel)(*tuple(_d.values())))

</pallas_src>

<mosaic_0001>
#map = affine_map<(d0, d1) -> (0, 0)>
#map1 = affine_map<(d0, d1) -> (0)>
module attributes {stable_mosaic.version = 14 : i64} {
  func.func @_sc_edge_lerp(%arg0: i32, %arg1: i32, %arg2: memref<32768x256xf32, #tpu.memory_space<hbm>>, %arg3: memref<2x128xi32, #tpu.memory_space<hbm>>, %arg4: memref<128xf32, #tpu.memory_space<hbm>>, %arg5: memref<2048x256xf32, #tpu.memory_space<hbm>>, %arg6: memref<128xi32, #tpu.memory_space<vmem>>, %arg7: memref<128xi32, #tpu.memory_space<vmem>>, %arg8: memref<128xf32, #tpu.memory_space<vmem>>, %arg9: memref<256x256xf32, #tpu.memory_space<vmem>>, %arg10: memref<128x256xf32, #tpu.memory_space<vmem>>, %arg11: memref<!tpu.dma_semaphore, #tpu.memory_space<semaphore_mem>>) attributes {dimension_semantics = [#tpu.dimension_semantics<core_parallel>, #tpu.dimension_semantics<subcore_parallel>], iteration_bounds = array<i64: 1, 16>, scalar_prefetch = 0 : i64, scratch_operands = 6 : i64, tpu.core_type = #tpu.core_type<sc_vector_subcore>, window_params = [{transform_indices = #map}, {transform_indices = #map}, {transform_indices = #map1}, {transform_indices = #map}]} {
    %mul3A = arith.constant 1 : i32
    %mul3A_0 = arith.muli %arg1, %mul3A : i32
    %add3A = arith.addi %mul3A_0, %arg0 : i32
    %mul3A_1 = arith.constant 128 : i32
    %mul3A_2 = arith.muli %add3A, %mul3A_1 : i32
    %run_scoped3A = arith.constant 0 : i32
    "tpu.region"() ({
      %run_scoped3A_175 = tpu.sem_alloc : memref<!tpu.dma_semaphore, #tpu.memory_space<semaphore_mem>>
      %dma_start3A_176 = arith.constant 0 : i32
      %dma_start3A_177 = tpu.memref_slice %arg3[%run_scoped3A, %dma_start3A_176] : memref<2x128xi32, #tpu.memory_space<hbm>> -> memref<1x128xi32, #tpu.memory_space<hbm>>
      %dma_start3A_178 = tpu.memref_squeeze %dma_start3A_177 : memref<1x128xi32, #tpu.memory_space<hbm>> -> memref<128xi32, #tpu.memory_space<hbm>>
      %dma_start3A_179 = arith.constant 0 : i32
      %dma_start3A_180 = tpu.memref_slice %arg3[%run_scoped3A, %dma_start3A_179] : memref<2x128xi32, #tpu.memory_space<hbm>> -> memref<1x128xi32, #tpu.memory_space<hbm>>
      %dma_start3A_181 = tpu.memref_squeeze %dma_start3A_180 : memref<1x128xi32, #tpu.memory_space<hbm>> -> memref<128xi32, #tpu.memory_space<hbm>>
      tpu.enqueue_dma source(%dma_start3A_181 : memref<128xi32, #tpu.memory_space<hbm>>) target(%arg6 : memref<128xi32, #tpu.memory_space<vmem>>) target_semaphore(%run_scoped3A_175 : memref<!tpu.dma_semaphore, #tpu.memory_space<semaphore_mem>>)
      %dma_wait3A_182 = arith.constant 0 : i32
      %dma_wait3A_183 = tpu.memref_slice %arg3[%run_scoped3A, %dma_wait3A_182] : memref<2x128xi32, #tpu.memory_space<hbm>> -> memref<1x128xi32, #tpu.memory_space<hbm>>
      %dma_wait3A_184 = tpu.memref_squeeze %dma_wait3A_183 : memref<1x128xi32, #tpu.memory_space<hbm>> -> memref<128xi32, #tpu.memory_space<hbm>>
      %dma_wait3A_185 = arith.constant 0 : i32
      %dma_wait3A_186 = tpu.memref_slice %arg3[%run_scoped3A, %dma_wait3A_185] : memref<2x128xi32, #tpu.memory_space<hbm>> -> memref<1x128xi32, #tpu.memory_space<hbm>>
      %dma_wait3A_187 = tpu.memref_squeeze %dma_wait3A_186 : memref<1x128xi32, #tpu.memory_space<hbm>> -> memref<128xi32, #tpu.memory_space<hbm>>
      tpu.wait_dma2 semaphore(%run_scoped3A_175 : memref<!tpu.dma_semaphore, #tpu.memory_space<semaphore_mem>>) src(%dma_wait3A_187 : memref<128xi32, #tpu.memory_space<hbm>>) dst(%arg6 : memref<128xi32, #tpu.memory_space<vmem>>)
      tpu.yield
    }) : () -> ()
    %run_scoped3A_3 = arith.constant 1 : i32
    "tpu.region"() ({
      %run_scoped3A_175 = tpu.sem_alloc : memref<!tpu.dma_semaphore, #tpu.memory_space<semaphore_mem>>
      %dma_start3A_176 = arith.constant 0 : i32
      %dma_start3A_177 = tpu.memref_slice %arg3[%run_scoped3A_3, %dma_start3A_176] : memref<2x128xi32, #tpu.memory_space<hbm>> -> memref<1x128xi32, #tpu.memory_space<hbm>>
      %dma_start3A_178 = tpu.memref_squeeze %dma_start3A_177 : memref<1x128xi32, #tpu.memory_space<hbm>> -> memref<128xi32, #tpu.memory_space<hbm>>
      %dma_start3A_179 = arith.constant 0 : i32
      %dma_start3A_180 = tpu.memref_slice %arg3[%run_scoped3A_3, %dma_start3A_179] : memref<2x128xi32, #tpu.memory_space<hbm>> -> memref<1x128xi32, #tpu.memory_space<hbm>>
      %dma_start3A_181 = tpu.memref_squeeze %dma_start3A_180 : memref<1x128xi32, #tpu.memory_space<hbm>> -> memref<128xi32, #tpu.memory_space<hbm>>
      tpu.enqueue_dma source(%dma_start3A_181 : memref<128xi32, #tpu.memory_space<hbm>>) target(%arg7 : memref<128xi32, #tpu.memory_space<vmem>>) target_semaphore(%run_scoped3A_175 : memref<!tpu.dma_semaphore, #tpu.memory_space<semaphore_mem>>)
      %dma_wait3A_182 = arith.constant 0 : i32
      %dma_wait3A_183 = tpu.memref_slice %arg3[%run_scoped3A_3, %dma_wait3A_182] : memref<2x128xi32, #tpu.memory_space<hbm>> -> memref<1x128xi32, #tpu.memory_space<hbm>>
      %dma_wait3A_184 = tpu.memref_squeeze %dma_wait3A_183 : memref<1x128xi32, #tpu.memory_space<hbm>> -> memref<128xi32, #tpu.memory_space<hbm>>
      %dma_wait3A_185 = arith.constant 0 : i32
      %dma_wait3A_186 = tpu.memref_slice %arg3[%run_scoped3A_3, %dma_wait3A_185] : memref<2x128xi32, #tpu.memory_space<hbm>> -> memref<1x128xi32, #tpu.memory_space<hbm>>
      %dma_wait3A_187 = tpu.memref_squeeze %dma_wait3A_186 : memref<1x128xi32, #tpu.memory_space<hbm>> -> memref<128xi32, #tpu.memory_space<hbm>>
      tpu.wait_dma2 semaphore(%run_scoped3A_175 : memref<!tpu.dma_semaphore, #tpu.memory_space<semaphore_mem>>) src(%dma_wait3A_187 : memref<128xi32, #tpu.memory_space<hbm>>) dst(%arg7 : memref<128xi32, #tpu.memory_space<vmem>>)
      tpu.yield
    }) : () -> ()
    "tpu.region"() ({
      %run_scoped3A_175 = tpu.sem_alloc : memref<!tpu.dma_semaphore, #tpu.memory_space<semaphore_mem>>
      tpu.enqueue_dma source(%arg4 : memref<128xf32, #tpu.memory_space<hbm>>) target(%arg8 : memref<128xf32, #tpu.memory_space<vmem>>) target_semaphore(%run_scoped3A_175 : memref<!tpu.dma_semaphore, #tpu.memory_space<semaphore_mem>>)
      tpu.wait_dma2 semaphore(%run_scoped3A_175 : memref<!tpu.dma_semaphore, #tpu.memory_space<semaphore_mem>>) src(%arg4 : memref<128xf32, #tpu.memory_space<hbm>>) dst(%arg8 : memref<128xf32, #tpu.memory_space<vmem>>)
      tpu.yield
    }) : () -> ()
    %mul3A_4 = arith.constant 2048 : i32
    %mul3A_5 = arith.muli %add3A, %mul3A_4 : i32
    %get3A = arith.constant 0 : index
    %get3A_6 = tpu.vector_load %arg6[%get3A] {strides = array<i32>} : memref<128xi32, #tpu.memory_space<vmem>>, vector<16xi32>,
    %get3A_7 = vector.shape_cast %get3A_6 : vector<16xi32> to vector<16xi32>
    %add3A_8 = vector.broadcast %mul3A_5 : i32 to vector<16xi32>
    %add3A_9 = arith.addi %get3A_7, %add3A_8 : vector<16xi32>
    %swap3A = arith.constant 0 : index
    %swap3A_10 = tpu.vector_load %arg6[%swap3A] {strides = array<i32>} : memref<128xi32, #tpu.memory_space<vmem>>, vector<16xi32>,
    %swap3A_11 = vector.shape_cast %swap3A_10 : vector<16xi32> to vector<16xi32>
    %swap3A_12 = vector.shape_cast %add3A_9 : vector<16xi32> to vector<16xi32>
    tpu.vector_store %arg6[%swap3A], %swap3A_12 {strides = array<i32>} : memref<128xi32, #tpu.memory_space<vmem>>, vector<16xi32>,
    %get3A_13 = arith.constant 0 : index
    %get3A_14 = tpu.vector_load %arg7[%get3A_13] {strides = array<i32>} : memref<128xi32, #tpu.memory_space<vmem>>, vector<16xi32>,
    %get3A_15 = vector.shape_cast %get3A_14 : vector<16xi32> to vector<16xi32>
    %add3A_16 = vector.broadcast %mul3A_5 : i32 to vector<16xi32>
    %add3A_17 = arith.addi %get3A_15, %add3A_16 : vector<16xi32>
    %swap3A_18 = arith.constant 0 : index
    %swap3A_19 = tpu.vector_load %arg7[%swap3A_18] {strides = array<i32>} : memref<128xi32, #tpu.memory_space<vmem>>, vector<16xi32>,
    %swap3A_20 = vector.shape_cast %swap3A_19 : vector<16xi32> to vector<16xi32>
    %swap3A_21 = vector.shape_cast %add3A_17 : vector<16xi32> to vector<16xi32>
    tpu.vector_store %arg7[%swap3A_18], %swap3A_21 {strides = array<i32>} : memref<128xi32, #tpu.memory_space<vmem>>, vector<16xi32>,
    %get3A_22 = arith.constant 16 : index
    %get3A_23 = tpu.vector_load %arg6[%get3A_22] {strides = array<i32>} : memref<128xi32, #tpu.memory_space<vmem>>, vector<16xi32>,
    %get3A_24 = vector.shape_cast %get3A_23 : vector<16xi32> to vector<16xi32>
    %add3A_25 = vector.broadcast %mul3A_5 : i32 to vector<16xi32>
    %add3A_26 = arith.addi %get3A_24, %add3A_25 : vector<16xi32>
    %swap3A_27 = arith.constant 16 : index
    %swap3A_28 = tpu.vector_load %arg6[%swap3A_27] {strides = array<i32>} : memref<128xi32, #tpu.memory_space<vmem>>, vector<16xi32>,
    %swap3A_29 = vector.shape_cast %swap3A_28 : vector<16xi32> to vector<16xi32>
    %swap3A_30 = vector.shape_cast %add3A_26 : vector<16xi32> to vector<16xi32>
    tpu.vector_store %arg6[%swap3A_27], %swap3A_30 {strides = array<i32>} : memref<128xi32, #tpu.memory_space<vmem>>, vector<16xi32>,
    %get3A_31 = arith.constant 16 : index
    %get3A_32 = tpu.vector_load %arg7[%get3A_31] {strides = array<i32>} : memref<128xi32, #tpu.memory_space<vmem>>, vector<16xi32>,
    %get3A_33 = vector.shape_cast %get3A_32 : vector<16xi32> to vector<16xi32>
    %add3A_34 = vector.broadcast %mul3A_5 : i32 to vector<16xi32>
    %add3A_35 = arith.addi %get3A_33, %add3A_34 : vector<16xi32>
    %swap3A_36 = arith.constant 16 : index
    %swap3A_37 = tpu.vector_load %arg7[%swap3A_36] {strides = array<i32>} : memref<128xi32, #tpu.memory_space<vmem>>, vector<16xi32>,
    %swap3A_38 = vector.shape_cast %swap3A_37 : vector<16xi32> to vector<16xi32>
    %swap3A_39 = vector.shape_cast %add3A_35 : vector<16xi32> to vector<16xi32>
    tpu.vector_store %arg7[%swap3A_36], %swap3A_39 {strides = array<i32>} : memref<128xi32, #tpu.memory_space<vmem>>, vector<16xi32>,
    %get3A_40 = arith.constant 32 : index
    %get3A_41 = tpu.vector_load %arg6[%get3A_40] {strides = array<i32>} : memref<128xi32, #tpu.memory_space<vmem>>, vector<16xi32>,
    %get3A_42 = vector.shape_cast %get3A_41 : vector<16xi32> to vector<16xi32>
    %add3A_43 = vector.broadcast %mul3A_5 : i32 to vector<16xi32>
    %add3A_44 = arith.addi %get3A_42, %add3A_43 : vector<16xi32>
    %swap3A_45 = arith.constant 32 : index
    %swap3A_46 = tpu.vector_load %arg6[%swap3A_45] {strides = array<i32>} : memref<128xi32, #tpu.memory_space<vmem>>, vector<16xi32>,
    %swap3A_47 = vector.shape_cast %swap3A_46 : vector<16xi32> to vector<16xi32>
    %swap3A_48 = vector.shape_cast %add3A_44 : vector<16xi32> to vector<16xi32>
    tpu.vector_store %arg6[%swap3A_45], %swap3A_48 {strides = array<i32>} : memref<128xi32, #tpu.memory_space<vmem>>, vector<16xi32>,
    %get3A_49 = arith.constant 32 : index
    %get3A_50 = tpu.vector_load %arg7[%get3A_49] {strides = array<i32>} : memref<128xi32, #tpu.memory_space<vmem>>, vector<16xi32>,
    %get3A_51 = vector.shape_cast %get3A_50 : vector<16xi32> to vector<16xi32>
    %add3A_52 = vector.broadcast %mul3A_5 : i32 to vector<16xi32>
    %add3A_53 = arith.addi %get3A_51, %add3A_52 : vector<16xi32>
    %swap3A_54 = arith.constant 32 : index
    %swap3A_55 = tpu.vector_load %arg7[%swap3A_54] {strides = array<i32>} : memref<128xi32, #tpu.memory_space<vmem>>, vector<16xi32>,
    %swap3A_56 = vector.shape_cast %swap3A_55 : vector<16xi32> to vector<16xi32>
    %swap3A_57 = vector.shape_cast %add3A_53 : vector<16xi32> to vector<16xi32>
    tpu.vector_store %arg7[%swap3A_54], %swap3A_57 {strides = array<i32>} : memref<128xi32, #tpu.memory_space<vmem>>, vector<16xi32>,
    %get3A_58 = arith.constant 48 : index
    %get3A_59 = tpu.vector_load %arg6[%get3A_58] {strides = array<i32>} : memref<128xi32, #tpu.memory_space<vmem>>, vector<16xi32>,
    %get3A_60 = vector.shape_cast %get3A_59 : vector<16xi32> to vector<16xi32>
    %add3A_61 = vector.broadcast %mul3A_5 : i32 to vector<16xi32>
    %add3A_62 = arith.addi %get3A_60, %add3A_61 : vector<16xi32>
    %swap3A_63 = arith.constant 48 : index
    %swap3A_64 = tpu.vector_load %arg6[%swap3A_63] {strides = array<i32>} : memref<128xi32, #tpu.memory_space<vmem>>, vector<16xi32>,
    %swap3A_65 = vector.shape_cast %swap3A_64 : vector<16xi32> to vector<16xi32>
    %swap3A_66 = vector.shape_cast %add3A_62 : vector<16xi32> to vector<16xi32>
    tpu.vector_store %arg6[%swap3A_63], %swap3A_66 {strides = array<i32>} : memref<128xi32, #tpu.memory_space<vmem>>, vector<16xi32>,
    %get3A_67 = arith.constant 48 : index
    %get3A_68 = tpu.vector_load %arg7[%get3A_67] {strides = array<i32>} : memref<128xi32, #tpu.memory_space<vmem>>, vector<16xi32>,
    %get3A_69 = vector.shape_cast %get3A_68 : vector<16xi32> to vector<16xi32>
    %add3A_70 = vector.broadcast %mul3A_5 : i32 to vector<16xi32>
    %add3A_71 = arith.addi %get3A_69, %add3A_70 : vector<16xi32>
    %swap3A_72 = arith.constant 48 : index
    %swap3A_73 = tpu.vector_load %arg7[%swap3A_72] {strides = array<i32>} : memref<128xi32, #tpu.memory_space<vmem>>, vector<16xi32>,
    %swap3A_74 = vector.shape_cast %swap3A_73 : vector<16xi32> to vector<16xi32>
    %swap3A_75 = vector.shape_cast %add3A_71 : vector<16xi32> to vector<16xi32>
    tpu.vector_store %arg7[%swap3A_72], %swap3A_75 {strides = array<i32>} : memref<128xi32, #tpu.memory_space<vmem>>, vector<16xi32>,
    %get3A_76 = arith.constant 64 : index
    %get3A_77 = tpu.vector_load %arg6[%get3A_76] {strides = array<i32>} : memref<128xi32, #tpu.memory_space<vmem>>, vector<16xi32>,
    %get3A_78 = vector.shape_cast %get3A_77 : vector<16xi32> to vector<16xi32>
    %add3A_79 = vector.broadcast %mul3A_5 : i32 to vector<16xi32>
    %add3A_80 = arith.addi %get3A_78, %add3A_79 : vector<16xi32>
    %swap3A_81 = arith.constant 64 : index
    %swap3A_82 = tpu.vector_load %arg6[%swap3A_81] {strides = array<i32>} : memref<128xi32, #tpu.memory_space<vmem>>, vector<16xi32>,
    %swap3A_83 = vector.shape_cast %swap3A_82 : vector<16xi32> to vector<16xi32>
    %swap3A_84 = vector.shape_cast %add3A_80 : vector<16xi32> to vector<16xi32>
    tpu.vector_store %arg6[%swap3A_81], %swap3A_84 {strides = array<i32>} : memref<128xi32, #tpu.memory_space<vmem>>, vector<16xi32>,
    %get3A_85 = arith.constant 64 : index
    %get3A_86 = tpu.vector_load %arg7[%get3A_85] {strides = array<i32>} : memref<128xi32, #tpu.memory_space<vmem>>, vector<16xi32>,
    %get3A_87 = vector.shape_cast %get3A_86 : vector<16xi32> to vector<16xi32>
    %add3A_88 = vector.broadcast %mul3A_5 : i32 to vector<16xi32>
    %add3A_89 = arith.addi %get3A_87, %add3A_88 : vector<16xi32>
    %swap3A_90 = arith.constant 64 : index
    %swap3A_91 = tpu.vector_load %arg7[%swap3A_90] {strides = array<i32>} : memref<128xi32, #tpu.memory_space<vmem>>, vector<16xi32>,
    %swap3A_92 = vector.shape_cast %swap3A_91 : vector<16xi32> to vector<16xi32>
    %swap3A_93 = vector.shape_cast %add3A_89 : vector<16xi32> to vector<16xi32>
    tpu.vector_store %arg7[%swap3A_90], %swap3A_93 {strides = array<i32>} : memref<128xi32, #tpu.memory_space<vmem>>, vector<16xi32>,
    %get3A_94 = arith.constant 80 : index
    %get3A_95 = tpu.vector_load %arg6[%get3A_94] {strides = array<i32>} : memref<128xi32, #tpu.memory_space<vmem>>, vector<16xi32>,
    %get3A_96 = vector.shape_cast %get3A_95 : vector<16xi32> to vector<16xi32>
    %add3A_97 = vector.broadcast %mul3A_5 : i32 to vector<16xi32>
    %add3A_98 = arith.addi %get3A_96, %add3A_97 : vector<16xi32>
    %swap3A_99 = arith.constant 80 : index
    %swap3A_100 = tpu.vector_load %arg6[%swap3A_99] {strides = array<i32>} : memref<128xi32, #tpu.memory_space<vmem>>, vector<16xi32>,
    %swap3A_101 = vector.shape_cast %swap3A_100 : vector<16xi32> to vector<16xi32>
    %swap3A_102 = vector.shape_cast %add3A_98 : vector<16xi32> to vector<16xi32>
    tpu.vector_store %arg6[%swap3A_99], %swap3A_102 {strides = array<i32>} : memref<128xi32, #tpu.memory_space<vmem>>, vector<16xi32>,
    %get3A_103 = arith.constant 80 : index
    %get3A_104 = tpu.vector_load %arg7[%get3A_103] {strides = array<i32>} : memref<128xi32, #tpu.memory_space<vmem>>, vector<16xi32>,
    %get3A_105 = vector.shape_cast %get3A_104 : vector<16xi32> to vector<16xi32>
    %add3A_106 = vector.broadcast %mul3A_5 : i32 to vector<16xi32>
    %add3A_107 = arith.addi %get3A_105, %add3A_106 : vector<16xi32>
    %swap3A_108 = arith.constant 80 : index
    %swap3A_109 = tpu.vector_load %arg7[%swap3A_108] {strides = array<i32>} : memref<128xi32, #tpu.memory_space<vmem>>, vector<16xi32>,
    %swap3A_110 = vector.shape_cast %swap3A_109 : vector<16xi32> to vector<16xi32>
    %swap3A_111 = vector.shape_cast %add3A_107 : vector<16xi32> to vector<16xi32>
    tpu.vector_store %arg7[%swap3A_108], %swap3A_111 {strides = array<i32>} : memref<128xi32, #tpu.memory_space<vmem>>, vector<16xi32>,
    %get3A_112 = arith.constant 96 : index
    %get3A_113 = tpu.vector_load %arg6[%get3A_112] {strides = array<i32>} : memref<128xi32, #tpu.memory_space<vmem>>, vector<16xi32>,
    %get3A_114 = vector.shape_cast %get3A_113 : vector<16xi32> to vector<16xi32>
    %add3A_115 = vector.broadcast %mul3A_5 : i32 to vector<16xi32>
    %add3A_116 = arith.addi %get3A_114, %add3A_115 : vector<16xi32>
    %swap3A_117 = arith.constant 96 : index
    %swap3A_118 = tpu.vector_load %arg6[%swap3A_117] {strides = array<i32>} : memref<128xi32, #tpu.memory_space<vmem>>, vector<16xi32>,
    %swap3A_119 = vector.shape_cast %swap3A_118 : vector<16xi32> to vector<16xi32>
    %swap3A_120 = vector.shape_cast %add3A_116 : vector<16xi32> to vector<16xi32>
    tpu.vector_store %arg6[%swap3A_117], %swap3A_120 {strides = array<i32>} : memref<128xi32, #tpu.memory_space<vmem>>, vector<16xi32>,
    %get3A_121 = arith.constant 96 : index
    %get3A_122 = tpu.vector_load %arg7[%get3A_121] {strides = array<i32>} : memref<128xi32, #tpu.memory_space<vmem>>, vector<16xi32>,
    %get3A_123 = vector.shape_cast %get3A_122 : vector<16xi32> to vector<16xi32>
    %add3A_124 = vector.broadcast %mul3A_5 : i32 to vector<16xi32>
    %add3A_125 = arith.addi %get3A_123, %add3A_124 : vector<16xi32>
    %swap3A_126 = arith.constant 96 : index
    %swap3A_127 = tpu.vector_load %arg7[%swap3A_126] {strides = array<i32>} : memref<128xi32, #tpu.memory_space<vmem>>, vector<16xi32>,
    %swap3A_128 = vector.shape_cast %swap3A_127 : vector<16xi32> to vector<16xi32>
    %swap3A_129 = vector.shape_cast %add3A_125 : vector<16xi32> to vector<16xi32>
    tpu.vector_store %arg7[%swap3A_126], %swap3A_129 {strides = array<i32>} : memref<128xi32, #tpu.memory_space<vmem>>, vector<16xi32>,
    %get3A_130 = arith.constant 112 : index
    %get3A_131 = tpu.vector_load %arg6[%get3A_130] {strides = array<i32>} : memref<128xi32, #tpu.memory_space<vmem>>, vector<16xi32>,
    %get3A_132 = vector.shape_cast %get3A_131 : vector<16xi32> to vector<16xi32>
    %add3A_133 = vector.broadcast %mul3A_5 : i32 to vector<16xi32>
    %add3A_134 = arith.addi %get3A_132, %add3A_133 : vector<16xi32>
    %swap3A_135 = arith.constant 112 : index
    %swap3A_136 = tpu.vector_load %arg6[%swap3A_135] {strides = array<i32>} : memref<128xi32, #tpu.memory_space<vmem>>, vector<16xi32>,
    %swap3A_137 = vector.shape_cast %swap3A_136 : vector<16xi32> to vector<16xi32>
    %swap3A_138 = vector.shape_cast %add3A_134 : vector<16xi32> to vector<16xi32>
    tpu.vector_store %arg6[%swap3A_135], %swap3A_138 {strides = array<i32>} : memref<128xi32, #tpu.memory_space<vmem>>, vector<16xi32>,
    %get3A_139 = arith.constant 112 : index
    %get3A_140 = tpu.vector_load %arg7[%get3A_139] {strides = array<i32>} : memref<128xi32, #tpu.memory_space<vmem>>, vector<16xi32>,
    %get3A_141 = vector.shape_cast %get3A_140 : vector<16xi32> to vector<16xi32>
    %add3A_142 = vector.broadcast %mul3A_5 : i32 to vector<16xi32>
    %add3A_143 = arith.addi %get3A_141, %add3A_142 : vector<16xi32>
    %swap3A_144 = arith.constant 112 : index
    %swap3A_145 = tpu.vector_load %arg7[%swap3A_144] {strides = array<i32>} : memref<128xi32, #tpu.memory_space<vmem>>, vector<16xi32>,
    %swap3A_146 = vector.shape_cast %swap3A_145 : vector<16xi32> to vector<16xi32>
    %swap3A_147 = vector.shape_cast %add3A_143 : vector<16xi32> to vector<16xi32>
    tpu.vector_store %arg7[%swap3A_144], %swap3A_147 {strides = array<i32>} : memref<128xi32, #tpu.memory_space<vmem>>, vector<16xi32>,
    %dma_start3A = arith.constant 0 : i32
    %dma_start3A_148 = arith.constant 0 : i32
    %dma_start3A_149 = tpu.memref_slice %arg9[%dma_start3A, %dma_start3A_148] : memref<256x256xf32, #tpu.memory_space<vmem>> -> memref<128x256xf32, #tpu.memory_space<vmem>>
    %dma_start3A_150 = arith.constant 0 : i32
    %dma_start3A_151 = arith.constant 0 : i32
    %dma_start3A_152 = tpu.memref_slice %arg2[%dma_start3A_150, %dma_start3A_151] : memref<32768x256xf32, #tpu.memory_space<hbm>> -> memref<32768x256xf32, #tpu.memory_space<hbm>>
    tpu.enqueue_indirect_dma source(%dma_start3A_152 : memref<32768x256xf32, #tpu.memory_space<hbm>>) target(%dma_start3A_149 : memref<128x256xf32, #tpu.memory_space<vmem>>) offsets(%arg6 : memref<128xi32, #tpu.memory_space<vmem>>) semaphore(%arg11 : memref<!tpu.dma_semaphore, #tpu.memory_space<semaphore_mem>>)
    %dma_start3A_153 = arith.constant 128 : i32
    %dma_start3A_154 = arith.constant 0 : i32
    %dma_start3A_155 = tpu.memref_slice %arg9[%dma_start3A_153, %dma_start3A_154] : memref<256x256xf32, #tpu.memory_space<vmem>> -> memref<128x256xf32, #tpu.memory_space<vmem>>
    %dma_start3A_156 = arith.constant 0 : i32
    %dma_start3A_157 = arith.constant 0 : i32
    %dma_start3A_158 = tpu.memref_slice %arg2[%dma_start3A_156, %dma_start3A_157] : memref<32768x256xf32, #tpu.memory_space<hbm>> -> memref<32768x256xf32, #tpu.memory_space<hbm>>
    tpu.enqueue_indirect_dma source(%dma_start3A_158 : memref<32768x256xf32, #tpu.memory_space<hbm>>) target(%dma_start3A_155 : memref<128x256xf32, #tpu.memory_space<vmem>>) offsets(%arg7 : memref<128xi32, #tpu.memory_space<vmem>>) semaphore(%arg11 : memref<!tpu.dma_semaphore, #tpu.memory_space<semaphore_mem>>)
    %dma_wait3A = arith.constant 0 : i32
    %dma_wait3A_159 = arith.constant 0 : i32
    %dma_wait3A_160 = tpu.memref_slice %arg9[%dma_wait3A, %dma_wait3A_159] : memref<256x256xf32, #tpu.memory_space<vmem>> -> memref<128x256xf32, #tpu.memory_space<vmem>>
    %dma_wait3A_161 = arith.constant 0 : i32
    %dma_wait3A_162 = arith.constant 0 : i32
    %dma_wait3A_163 = tpu.memref_slice %arg2[%dma_wait3A_161, %dma_wait3A_162] : memref<32768x256xf32, #tpu.memory_space<hbm>> -> memref<32768x256xf32, #tpu.memory_space<hbm>>
    tpu.wait_indirect_dma semaphore(%arg11 : memref<!tpu.dma_semaphore, #tpu.memory_space<semaphore_mem>>) src(%dma_wait3A_163 : memref<32768x256xf32, #tpu.memory_space<hbm>>) dst(%dma_wait3A_160 : memref<128x256xf32, #tpu.memory_space<vmem>>)
    %dma_wait3A_164 = arith.constant 128 : i32
    %dma_wait3A_165 = arith.constant 0 : i32
    %dma_wait3A_166 = tpu.memref_slice %arg9[%dma_wait3A_164, %dma_wait3A_165] : memref<256x256xf32, #tpu.memory_space<vmem>> -> memref<128x256xf32, #tpu.memory_space<vmem>>
    %dma_wait3A_167 = arith.constant 0 : i32
    %dma_wait3A_168 = arith.constant 0 : i32
    %dma_wait3A_169 = tpu.memref_slice %arg2[%dma_wait3A_167, %dma_wait3A_168] : memref<32768x256xf32, #tpu.memory_space<hbm>> -> memref<32768x256xf32, #tpu.memory_space<hbm>>
    tpu.wait_indirect_dma semaphore(%arg11 : memref<!tpu.dma_semaphore, #tpu.memory_space<semaphore_mem>>) src(%dma_wait3A_169 : memref<32768x256xf32, #tpu.memory_space<hbm>>) dst(%dma_wait3A_166 : memref<128x256xf32, #tpu.memory_space<vmem>>)
    %scan3A = arith.constant 0 : i32
    %scan3A_170 = arith.constant 0 : i32
    %scan3A_171 = arith.constant 8 : i32
    %scan3A_172 = arith.addi %scan3A_170, %scan3A_171 : i32
    %scan3A_173 = arith.constant 1 : i32
    scf.for %scan3A_175 = %scan3A_170 to %scan3A_172 step %scan3A_173  : i32 {
      %mul3A_176 = arith.constant 16 : i32
      %mul3A_177 = arith.muli %scan3A_175, %mul3A_176 : i32
      %get3A_178 = arith.index_cast %mul3A_177 : i32 to index
      %get3A_179 = tpu.vector_load %arg8[%get3A_178] {strides = array<i32>} : memref<128xf32, #tpu.memory_space<vmem>>, vector<16xf32>,
      %get3A_180 = vector.shape_cast %get3A_179 : vector<16xf32> to vector<16xf32>
      %scan3A_181 = arith.constant 0 : i32
      %scan3A_182 = arith.constant 16 : i32
      %scan3A_183 = arith.addi %scan3A_181, %scan3A_182 : i32
      %scan3A_184 = arith.constant 1 : i32
      scf.for %scan3A_186 = %scan3A_181 to %scan3A_183 step %scan3A_184  : i32 {
        %mul3A_187 = arith.constant 16 : i32
        %mul3A_188 = arith.muli %scan3A_175, %mul3A_187 : i32
        %add3A_189 = arith.addi %mul3A_188, %scan3A_186 : i32
        %broadcast_in_dim3A = vector.broadcast %scan3A_186 : i32 to vector<16x1xi32>
        %gather3A = vector.shape_cast %broadcast_in_dim3A : vector<16x1xi32> to vector<16xi32>
        %gather3A_190 = tpu.dynamic_gather %get3A_180[%gather3A] in [0] : vector<16xf32>, vector<16xi32> -> vector<16xf32>
        %sub3A = arith.constant 1.000000e+00 : f32
        %sub3A_191 = vector.broadcast %sub3A : f32 to vector<16xf32>
        %sub3A_192 = arith.subf %sub3A_191, %gather3A_190 : vector<16xf32>
        %scan3A_193 = arith.constant 0 : i32
        %scan3A_194 = arith.constant 16 : i32
        %scan3A_195 = arith.addi %scan3A_193, %scan3A_194 : i32
        %scan3A_196 = arith.constant 1 : i32
        scf.for %scan3A_198 = %scan3A_193 to %scan3A_195 step %scan3A_196  : i32 {
          %mul3A_199 = arith.constant 16 : i32
          %mul3A_200 = arith.muli %scan3A_198, %mul3A_199 : i32
          %get3A_201 = arith.index_cast %add3A_189 : i32 to index
          %get3A_202 = arith.index_cast %mul3A_200 : i32 to index
          %get3A_203 = tpu.vector_load %arg9[%get3A_201, %get3A_202] {strides = array<i32>} : memref<256x256xf32, #tpu.memory_space<vmem>>, vector<1x16xf32>,
          %get3A_204 = vector.shape_cast %get3A_203 : vector<1x16xf32> to vector<16xf32>
          %mul3A_205 = arith.mulf %get3A_204, %gather3A_190 : vector<16xf32>
          %add3A_206 = arith.constant 128 : i32
          %add3A_207 = arith.addi %add3A_206, %add3A_189 : i32
          %get3A_208 = arith.index_cast %add3A_207 : i32 to index
          %get3A_209 = arith.index_cast %mul3A_200 : i32 to index
          %get3A_210 = tpu.vector_load %arg9[%get3A_208, %get3A_209] {strides = array<i32>} : memref<256x256xf32, #tpu.memory_space<vmem>>, vector<1x16xf32>,
          %get3A_211 = vector.shape_cast %get3A_210 : vector<1x16xf32> to vector<16xf32>
          %mul3A_212 = arith.mulf %get3A_211, %sub3A_192 : vector<16xf32>
          %add3A_213 = arith.addf %mul3A_205, %mul3A_212 : vector<16xf32>
          %swap3A_214 = arith.index_cast %add3A_189 : i32 to index
          %swap3A_215 = arith.index_cast %mul3A_200 : i32 to index
          %swap3A_216 = tpu.vector_load %arg10[%swap3A_214, %swap3A_215] {strides = array<i32>} : memref<128x256xf32, #tpu.memory_space<vmem>>, vector<1x16xf32>,
          %swap3A_217 = vector.shape_cast %swap3A_216 : vector<1x16xf32> to vector<16xf32>
          %swap3A_218 = vector.shape_cast %add3A_213 : vector<16xf32> to vector<1x16xf32>
          tpu.vector_store %arg10[%swap3A_214, %swap3A_215], %swap3A_218 {strides = array<i32>} : memref<128x256xf32, #tpu.memory_space<vmem>>, vector<1x16xf32>,
        }
        %scan3A_197 = arith.constant 16 : i32
      }
      %scan3A_185 = arith.constant 16 : i32
    }
    %scan3A_174 = arith.constant 8 : i32
    "tpu.region"() ({
      %run_scoped3A_175 = tpu.sem_alloc : memref<!tpu.dma_semaphore, #tpu.memory_space<semaphore_mem>>
      %dma_start3A_176 = arith.constant 0 : i32
      %dma_start3A_177 = tpu.memref_slice %arg5[%mul3A_2, %dma_start3A_176] : memref<2048x256xf32, #tpu.memory_space<hbm>> -> memref<128x256xf32, #tpu.memory_space<hbm>>
      %dma_start3A_178 = arith.constant 0 : i32
      %dma_start3A_179 = tpu.memref_slice %arg5[%mul3A_2, %dma_start3A_178] : memref<2048x256xf32, #tpu.memory_space<hbm>> -> memref<128x256xf32, #tpu.memory_space<hbm>>
      tpu.enqueue_dma source(%arg10 : memref<128x256xf32, #tpu.memory_space<vmem>>) target(%dma_start3A_179 : memref<128x256xf32, #tpu.memory_space<hbm>>) target_semaphore(%run_scoped3A_175 : memref<!tpu.dma_semaphore, #tpu.memory_space<semaphore_mem>>)
      %dma_wait3A_180 = arith.constant 0 : i32
      %dma_wait3A_181 = tpu.memref_slice %arg5[%mul3A_2, %dma_wait3A_180] : memref<2048x256xf32, #tpu.memory_space<hbm>> -> memref<128x256xf32, #tpu.memory_space<hbm>>
      %dma_wait3A_182 = arith.constant 0 : i32
      %dma_wait3A_183 = tpu.memref_slice %arg5[%mul3A_2, %dma_wait3A_182] : memref<2048x256xf32, #tpu.memory_space<hbm>> -> memref<128x256xf32, #tpu.memory_space<hbm>>
      tpu.wait_dma2 semaphore(%run_scoped3A_175 : memref<!tpu.dma_semaphore, #tpu.memory_space<semaphore_mem>>) src(%arg10 : memref<128x256xf32, #tpu.memory_space<vmem>>) dst(%dma_wait3A_183 : memref<128x256xf32, #tpu.memory_space<hbm>>)
      tpu.yield
    }) : () -> ()
    return
  }
}

module attributes {stable_mosaic.version = 14 : i64} {
  func.func @_tc_copy_body(%arg0: i32, %arg1: memref<1x2048x256xf32, #tpu.memory_space<vmem>>, %arg2: memref<1x2176x256xf32, #tpu.memory_space<vmem>>) attributes {dimension_semantics = [#tpu.dimension_semantics<parallel>], iteration_bounds = array<i64: 16>, scalar_prefetch = 0 : i64, scratch_operands = 0 : i64, tpu.core_type = #tpu.core_type<tc>, window_params = [{transform_indices = @transform_0, window_bounds = array<i64: 1, 2048, 256>}, {transform_indices = @transform_1, window_bounds = array<i64: 1, 2176, 256>}]} {
    %get3A = arith.constant 0 : index
    %get3A_0 = arith.constant 0 : index
    %get3A_1 = arith.constant 0 : index
    %get3A_2 = vector.load %arg1[%get3A, %get3A_0, %get3A_1] : memref<1x2048x256xf32, #tpu.memory_space<vmem>>, vector<1x2048x256xf32>
    %swap3A = arith.constant 0 : index
    %swap3A_3 = arith.constant 0 : index
    %swap3A_4 = arith.constant 0 : index
    %swap3A_5 = vector.load %arg2[%swap3A, %swap3A_3, %swap3A_4] : memref<1x2176x256xf32, #tpu.memory_space<vmem>>, vector<1x2048x256xf32>
    tpu.vector_store %arg2[%swap3A, %swap3A_3, %swap3A_4], %get3A_2 {strides = array<i32>} : memref<1x2176x256xf32, #tpu.memory_space<vmem>>, vector<1x2048x256xf32>,
    return
  }
  func.func @transform_0(%arg0: i32) -> (i32, i32, i32) {
    %c0_i32 = arith.constant 0 : i32
    %c0_i32_0 = arith.constant 0 : i32
    %c0_i32_1 = arith.constant 0 : i32
    return %arg0, %c0_i32, %c0_i32_0 : i32, i32, i32
  }
  func.func @transform_1(%arg0: i32) -> (i32, i32, i32) {
    %c0_i32 = arith.constant 0 : i32
    %c0_i32_0 = arith.constant 0 : i32
    %c0_i32_1 = arith.constant 0 : i32
    return %arg0, %c0_i32, %c0_i32_0 : i32, i32, i32
  }
}

</mosaic_0001>

<sc_bundles>
// kernel: kernel.4.cloned.1.call-start
scs
__scs_entry_jumppad:
0x0: {  	(pc) =	sbr.rel $0x88, $3  }
0x1: {  	(tag) =	ssettag $0x0;
	lr =	simm.s32 $0x1  }
0x2: {  	[smem:$0x3F9E] =	sst lr;
	_ =	strace $0xD0000000  }
0x3: {  	_ = 	snop  }
0x4: {  	_ = 	snop  }
0x5: {  	_ = 	snop  }
0x6: {  	_ = 	snop  }
0x7: {  	_ = 	snop  }
__scs_overlays_trampoline_lowered:
0x8: {  	[smem:$0x3FAD] =	sst s0  }
0x9: {  	[smem:$0x3FAE] =	sst s1  }
0xa: {  	[smem:$0x3FAF] =	sst s2  }
0xb: {  	[smem:$0x3FB0] =	sst s3  }
0xc: {  	[smem:$0x3FB1] =	sst s4  }
0xd: {  	[smem:$0x3FB2] =	sst s5  }
0xe: {  	[smem:$0x3FB3] =	sst s6  }
0xf: {  	[smem:$0x3FB4] =	sst s7  }
0x10: {  	[smem:$0x3FB5] =	sst s8  }
0x11: {  	[smem:$0x3FB6] =	sst s9;
	s0 =	simm.s32 @!p0 $0x0  }
0x12: {  	s1 =	sld [smem:$0x3F9C];
	s0 =	simm.s32 @p0 $0x1  }
0x13: {  	[smem:$0x3FB7] =	sst s0;
	s0 =	simm.s32 @!p1 $0x0  }
0x14: {  	s2 =	sld [smem:$0x3F9B];
	s0 =	simm.s32 @p1 $0x1  }
0x15: {  	[smem:$0x3FB8] =	sst s0;
	s0 =	simm.s32 @!p2 $0x0  }
0x16: {  	s3 =	sld [smem:$0x3FDB];
	s0 =	simm.s32 @p2 $0x1  }
0x17: {  	s4 =	simm.s32 $0x1BF5;
	[smem:$0x3FBA] =	sst s0  }
0x18: {  	s0 =	sld [smem:$0x3F9D];
	_ =	swait.ge [sflag:s4], $0x0  }
0x19: {  	s7 =	sld [smem:$0x3F9E]  }
0x1a: {  	s8 =	sadd.s32 $0xFFFFE003, lr  }
0x1b: {  	s9 =	sadd.s32 $0xFFFFFEF7, lr;
	s5 =	simm.s32 $0xFFFFFFFF;
	p2 =	slt.u32 s8, $0xFFFFF086  }
0x1c: {  	p1 =	slt.u32 s9, $0xF7A;
	s5 =	simm.s32 @!p2 $0x0  }
0x1d: {  	s5 =	simm.s32 @p1 $0x1;
	p0 =	seq.s32 s7, s2  }
0x1e: {  	s7 =	smul.u32 @!p0 $0xF7A, s2;
	p2 =	seq.s32 @!p0 s5, $0x0  }
0x1f: {  	s9 =	smul.u32 $0xF7A, s1;
	s8 =	simm.s32 @!p0 $0x1BF5;
	p2 =	por !p2, p0  }
0x20: {  	[sflag:s8] =	ssyncset.s32 @!p0 $0xFFFFF086;
	s6 =	sadd.s32 @!p0 s3, s7;
	s7 =	simm.s32 @!p0 $0x108  }
0x21: {  	s3 =	sadd.s32 s3, s9;
	s6 =	sadd.s32 @!p0 $0x88, s6;
	s7 =	simm.s32 @p2 $0x1082  }
0x22: {  	[simem:s7], [sflag:s8] =	dma.local @!p0 [hbm:s6], $0xF7A  }
0x23: {  	s9 =	sor.u32 $0xD0000000, s2;
	s6 =	simm.s32 $0x108;
	_ =	swait.ge @!p0 [sflag:s8], $0x0  }
0x24: {  	s3 =	sadd.s32 $0x88, s3;
	s6 =	simm.s32 @!p1 $0x1082;
	[sflag:s4] =	ssyncset.s32 $0xFFFFF086  }
0x25: {  	[simem:s6], [sflag:s4] =	dma.local [hbm:s3], $0xF7A  }
0x26: {  	[smem:$0x3F9E] =	sst s1;
	(tag) =	ssettag s2;
	_ =	strace s9  }
0x27: {  	s1 =	sld [smem:$0x3FAE]  }
0x28: {  	s2 =	sld [smem:$0x3FAF]  }
0x29: {  	s4 =	sld [smem:$0x3FB1]  }
0x2a: {  	p0 =	seq.s32 s5, $0x0;
	s5 =	sld [smem:$0x3FB2]  }
0x2b: {  	s6 =	sld [smem:$0x3FB3]  }
0x2c: {  	s7 =	sld [smem:$0x3FB4]  }
0x2d: {  	s3 =	simm.s32 $0x108;
	s8 =	sld [smem:$0x3FB5]  }
0x2e: {  	s3 =	simm.s32 @!p0 $0x1082;
	s9 =	sld [smem:$0x3FB6]  }
0x2f: {  	lr =	sadd.s32 s0, s3;
	s0 =	sld [smem:$0x3FAD]  }
0x30: {  	s3 =	sld [smem:$0x3FB0]  }
0x31: {  	[smem:$0x3FB9] =	sst s10  }
0x32: {  	s10 =	sld [smem:$0x3FB7];
	_ =	sdelay $0x3  }
0x33: {  	p0 =	seq.s32 s10, $0x1;
	s10 =	sld [smem:$0x3FB9];
	_ =	sdelay $0x3  }
0x34: {  	[smem:$0x3FB9] =	sst s10  }
0x35: {  	s10 =	sld [smem:$0x3FB8];
	_ =	sdelay $0x3  }
0x36: {  	p1 =	seq.s32 s10, $0x1;
	s10 =	sld [smem:$0x3FB9];
	_ =	sdelay $0x3  }
0x37: {  	[smem:$0x3FB9] =	sst s10  }
0x38: {  	s10 =	sld [smem:$0x3FBA]  }
0x39: {  	_ = 	snop;
	(pc) =	sbr.ind lr, $3  }
0x3a: {  	_ = 	snop  }
0x3b: {  	_ = 	snop  }
0x3c: {  	p2 =	seq.s32 s10, $0x1;
	s10 =	sld [smem:$0x3FB9]  }
0x3d: {  	_ =	shalt  }
0x3e: {  	_ =	shalt  }
0x3f: {  	_ =	shalt  }
0x40: {  	_ =	shalt  }
0x41: {  	_ =	shalt  }
0x42: {  	_ =	shalt  }
0x43: {  	_ =	shalt  }
0x44: {  	_ =	shalt  }
0x45: {  	_ =	shalt  }
0x46: {  	_ =	shalt  }
0x47: {  	_ =	shalt  }
0x48: {  	_ =	shalt  }
0x49: {  	_ =	shalt  }
0x4a: {  	_ =	shalt  }
0x4b: {  	_ =	shalt  }
0x4c: {  	_ =	shalt  }
0x4d: {  	_ =	shalt  }
0x4e: {  	_ =	shalt  }
0x4f: {  	_ =	shalt  }
0x50: {  	_ =	shalt  }
0x51: {  	_ =	shalt  }
0x52: {  	_ =	shalt  }
0x53: {  	_ =	shalt  }
0x54: {  	_ =	shalt  }
0x55: {  	_ =	shalt  }
0x56: {  	_ =	shalt  }
0x57: {  	_ =	shalt  }
0x58: {  	_ =	shalt  }
0x59: {  	_ =	shalt  }
0x5a: {  	_ =	shalt  }
0x5b: {  	_ =	shalt  }
0x5c: {  	_ =	shalt  }
0x5d: {  	_ =	shalt  }
0x5e: {  	_ =	shalt  }
0x5f: {  	_ =	shalt  }
0x60: {  	_ =	shalt  }
0x61: {  	_ =	shalt  }
0x62: {  	_ =	shalt  }
0x63: {  	_ =	shalt  }
0x64: {  	_ =	shalt  }
0x65: {  	_ =	shalt  }
0x66: {  	_ =	shalt  }
0x67: {  	_ =	shalt  }
0x68: {  	_ =	shalt  }
0x69: {  	_ =	shalt  }
0x6a: {  	_ =	shalt  }
0x6b: {  	_ =	shalt  }
0x6c: {  	_ =	shalt  }
0x6d: {  	_ =	shalt  }
0x6e: {  	_ =	shalt  }
0x6f: {  	_ =	shalt  }
0x70: {  	_ =	shalt  }
0x71: {  	_ =	shalt  }
0x72: {  	_ =	shalt  }
0x73: {  	_ =	shalt  }
0x74: {  	_ =	shalt  }
0x75: {  	_ =	shalt  }
0x76: {  	_ =	shalt  }
0x77: {  	_ =	shalt  }
0x78: {  	_ =	shalt  }
0x79: {  	_ =	shalt  }
0x7a: {  	_ =	shalt  }
0x7b: {  	_ =	shalt  }
0x7c: {  	_ =	shalt  }
0x7d: {  	_ =	shalt  }
0x7e: {  	_ =	shalt  }
0x7f: {  	_ =	shalt  }
0x80: {  	_ =	shalt  }
0x81: {  	_ =	shalt  }
0x82: {  	_ =	shalt  }
0x83: {  	_ =	shalt  }
0x84: {  	_ =	shalt  }
0x85: {  	_ =	shalt  }
0x86: {  	_ =	shalt  }
0x87: {  	_ =	shalt  }
.Lfunc_end0:
.L_simem_size_0:
called_computation_lowered:
.L_overlay_start_0:
0x88: {  	s0 =	sld [smem:$0x3FD9]  }
0x89: {  	s1 =	sld [smem:$0x3FFE];
	_ =	sdelay $0x3  }
0x8a: {  	s0 =	sadd.s32 s1, s0  }
0x8b: {  	[smem:$0x3FC5] =	sst s0  }
0x8c: {  	_ = 	snop  }
0x8d: {  	s0 =	sld [smem:$0x3FC9]  }
0x8e: {  	s16 =	sld [smem:$0x3FC8]  }
0x8f: {  	s2 =	sld [smem:$0x3FC7];
	(tm) =	ssettm $0x1  }
0x90: {  	s3 =	sld [smem:$0x3FFB];
	_ =	sdelay $0x3  }
0x91: {  	_ =	strace s3  }
0x92: {  	s3 =	sld [smem:$0x3FFC];
	_ =	sdelay $0x3  }
0x93: {  	_ =	strace s3  }
0x94: {  	s3 =	sld [smem:$0x3FFD];
	_ =	sdelay $0x3  }
0x95: {  	_ =	strace s3  }
0x96: {  	_ =	strace $0x8FFFFFFF  }
0x97: {  	s17 =	sld [smem:$0x3FDB];
	_ =	sdelay $0x1  }
0x98: {  	s4 =	simm.s32 $_scs_section_size  }
0x99: {  	s5 =	simm.s32 $_size__tile_overlayer_lowered;
	s6 =	simm.s32 $_tile_overlayer_lowered  }
0x9a: {  	s20 =	simm.s32 $0x1BFF;
	s19 =	sshll.u32 s6, $0x1;
	s3 =	sadd.s32 s4, s17  }
0x9b: {  	s7 =	simm.s32 $0x0;
	s18 =	sshll.u32 s5, $0x1;
	s5 =	sadd.s32 s19, s3  }
0x9c: {  	[timem:s7], [sflag:s20] =	dma.local [hbm:s5], s18  }
0x9d: {  	_ =	swait.ge [sflag:s20], s18  }
0x9e: {  	s4 =	ssub.s32 $0x0, s18;
	[sflag:s20] =	ssyncset.done $0x0  }
0x9f: {  	[sflag:s20] =	ssyncadd.s32 s4;
	_ =	sdelay $0x1  }
0xa0: {  	s21 =	simm.s32 $0x1B8B  }
0xa1: {  	_ =	swait.ge [sflag:s21], $0x1  }
0xa2: {  	[sflag:s21] =	ssyncset.done $0x0  }
0xa3: {  	s23 =	simm.s32 $0x1B8E;
	s22 =	sld [smem:$0x3FFE];
	[sflag:s21] =	ssyncadd.s32 $0xFFFFFFFF  }
0xa4: {  	s24 =	simm.s32 $execute0_lowered;
	[smem:$0x3FD2] =	sst s23  }
0xa5: {  	s5 =	sshll.u32 s24, $0x1;
	_ =	strace $0x80000046;
	[dreg:$0x1] =	wrdreg $0xFFFFFFFF  }
0xa6: {  	s25 =	simm.s32 $_size_execute0_lowered;
	s3 =	sadd.s32 s3, s5;
	[dreg:$0x0] =	wrdreg $0x0  }
0xa7: {  	s5 =	sshll.u32 s25, $0x1;
	[dreg:$0x2] =	wrdreg s3  }
0xa8: {  	[dreg:$0x3] =	wrdreg s5  }
0xa9: {  	[dreg:$0x4] =	wrdreg $0xC0  }
0xaa: {  	_ =	task [dreg:s7], $0x5FFFF  }
0xab: {  	[dreg:$0x1] =	wrdreg $0xFFFFFFFF  }
0xac: {  	[dreg:$0x0] =	wrdreg $0x60  }
0xad: {  	[dreg:$0x2] =	wrdreg s0  }
0xae: {  	[dreg:$0x3] =	wrdreg s2  }
0xaf: {  	[dreg:$0x4] =	wrdreg s16  }
0xb0: {  	[dreg:$0x5] =	wrdreg s22  }
0xb1: {  	[dreg:$0x6] =	wrdreg $0x9  }
0xb2: {  	_ =	task.clear_ibuf [dreg:s7], $0x7FFFF;
	_ =	strace $0x90000046  }
0xb3: {  	s26 =	simm.s32 $0x9;
	_ =	strace $0x80000048  }
0xb4: {  	_ =	swait.ge [sflag:s26], $0x1  }
0xb5: {  	[sflag:s26] =	ssyncadd.s32 $0xFFFFFFFF  }
0xb6: {  	_ =	strace $0x90000048  }
0xb7: {  	_ =	sfence  }
0xb8: {  	s28 =	sld [smem:$0x0];
	_ =	sdelay $0x1  }
0xb9: {  	s29 =	srdreg.scid  }
0xba: {  	s30 =	sshll.u32 s29, $0xD;
	s31 =	sshrl.u32 s29, $0x2  }
0xbb: {  	s1 =	sand.u32 $0x1, s29;
	s2 =	sand.u32 $0x4000, s30;
	s0 =	sadd.s32 s31, s28  }
0xbc: {  	s1 =	sor.u32 s2, s1;
	s0 =	sshll.u32 s0, $0x11  }
0xbd: {  	s0 =	sor.u32 s0, s1  }
0xbe: {  	s0 =	sadd.s32 $0x8F2B, s0  }
0xbf: {  	[sflag:s0] =	ssyncadd.remote.s32 $0x1  }
0xc0: {  	_ =	sfence.sel $0xFFFF  }
0xc1: {  	[dreg:$0x0] =	wrdreg $0xFFFFFFFF;
	(pc) =	sbr.abs _section_cstart, $3  }
0xc2: {  	[dreg:$0x1] =	wrdreg $0xFFFFFFFF  }
0xc3: {  	_ =	task.clear_ibuf [dreg:s7], $0x2FFFF;
	_ =	strace $0x9FFFFFFF  }
0xc4: {  	(tm) =	ssettm $0x7FFFFFFF  }
0xc5: {  	_ =	shalt  }
tec
execute0_lowered:
.L_overlay_start_1:
0x0: {  	(tag) =	ssettag $0x1  }
0x1: {  	s4 =	rddreg [dreg:$0x0]  }
0x2: {  	s2 =	rddreg [dreg:$0x1]  }
0x3: {  	s5 =	rddreg [dreg:$0x2]  }
0x4: {  	s3 =	rddreg [dreg:$0x3];
	s1 =	simm.s32 $0x0  }
0x5: {  	[smem:$0x7FF] =	sst s1  }
0x6: {  	s0 =	rddreg [dreg:$0x4];
	s6 =	simm.s32 $0x2;
	_ =	strace $0x80000047  }
0x7: {  	[tilespmem:s1], [sflag:$0x2] =	stream.linear.gather [hbm4b:s2+s1], $0x80, $0x38;
	[tilespmem:$0x18180] =	vst v63  }
0x8: {  	_ =	swait.ge [sflag:s6], $0x80  }
0x9: {  	[sflag:s6] =	ssyncset.done $0x0  }
0xa: {  	s7 =	simm.s32 $0x80;
	s2 =	sadd.s32 $0x10, s2;
	[sflag:s6] =	ssyncadd.s32 $0xFFFFFF80  }
0xb: {  	[tilespmem:s7], [sflag:$0x2] =	stream.linear.gather [hbm4b:s2+s1], $0x80, $0x38;
	[tilespmem:$0x18180] =	vst v63  }
0xc: {  	_ =	swait.ge [sflag:s6], $0x80  }
0xd: {  	[sflag:s6] =	ssyncset.done $0x0  }
0xe: {  	s21 =	simm.s32 $0x100;
	[sflag:s6] =	ssyncadd.s32 $0xFFFFFF80  }
0xf: {  	[tilespmem:s21], [sflag:$0x2] =	stream.linear.gather [hbm4b:s5+s1], $0x80, $0x38;
	[tilespmem:$0x18180] =	vst v63  }
0x10: {  	_ =	swait.ge [sflag:s6], $0x80  }
0x11: {  	[sflag:s6] =	ssyncset.done $0x0  }
0x12: {  	[sflag:s6] =	ssyncadd.s32 $0xFFFFFF80  }
0x13: {  	v0 =	vld [tilespmem:$0x0]  }
0x14: {  	v1 =	vld [tilespmem:$0x80]  }
0x15: {  	v2 =	vld [tilespmem:$0x10]  }
0x16: {  	v3 =	vld [tilespmem:$0x90]  }
0x17: {  	s2 =	stileid.u32;
	v4 =	vld [tilespmem:$0x20]  }
0x18: {  	s22 =	sshll.u32 s2, $0xB;
	v5 =	vld [tilespmem:$0xA0]  }
0x19: {  	v6 =	vld [tilespmem:$0x30];
	v0 =	vadd.s32 s22, v0  }
0x1a: {  	v7 =	vld [tilespmem:$0xB0];
	v20 =	vadd.s32 s22, v1;
	[tilespmem:$0x0] =	vst v0  }
0x1b: {  	v22 =	vadd.s32 s22, v2;
	[tilespmem:$0x80] =	vst v20;
	v23 =	vld [tilespmem:$0x0]  }
0x1c: {  	v8 =	vld [tilespmem:$0x40];
	v24 =	vadd.s32 s22, v3;
	[tilespmem:$0x10] =	vst v22  }
0x1d: {  	v21 =	vld [tilespmem:$0xC0];
	v25 =	vadd.s32 s22, v4;
	[tilespmem:$0x90] =	vst v24  }
0x1e: {  	v27 =	vld [tilespmem:$0x50];
	v26 =	vadd.s32 s22, v5;
	[tilespmem:$0x20] =	vst v25  }
0x1f: {  	v35 =	vlaneseq.u32;
	v30 =	vld [tilespmem:$0xD0];
	v28 =	vadd.s32 s22, v6;
	[tilespmem:$0xA0] =	vst v26  }
0x20: {  	v36 =	vand.u32 $0x7, v35;
	v32 =	vld [tilespmem:$0x60];
	v29 =	vadd.s32 s22, v7;
	[tilespmem:$0x30] =	vst v28;
	v33 =	vshll.u32 v23, $0x1  }
0x21: {  	v34 =	vld [tilespmem:$0xE0];
	v31 =	vadd.s32 s22, v8;
	[tilespmem:$0xB0] =	vst v29;
	v2 =	vand.u32 $0x7, v23;
	v7 =	vand.u32 $0xFFFFFFF0, v33  }
0x22: {  	v37 =	vshrl.u32 v35, $0x3;
	v9 =	vld [tilespmem:$0x70];
	v1 =	vadd.s32 s22, v21;
	[tilespmem:$0x40] =	vst v31;
	v7 =	vor.u32 v2, v7  }
0x23: {  	v38 =	vmul.u32 $0x8, v37;
	v10 =	vld [tilespmem:$0xF0];
	v3 =	vadd.s32 s22, v27;
	[tilespmem:$0xC0] =	vst v1;
	v11 =	vperm.xlane v7, v36  }
0x24: {  	v40 =	vor.u32 $0x8, v35;
	v39 =	vadd.s32 s22, v30;
	[tilespmem:$0x50] =	vst v3  }
0x25: {  	v41 =	vadd.s32 s22, v32;
	[tilespmem:$0xD0] =	vst v39;
	v43 =	vperm.xlane v7, v40;
	v42 =	vadd.s32 v38, v11  }
0x26: {  	v44 =	vadd.s32 s22, v34;
	[tilespmem:$0x60] =	vst v41  }
0x27: {  	v45 =	vadd.s32 s22, v9;
	[tilespmem:$0xE0] =	vst v44;
	v46 =	vadd.s32 v38, v43  }
0x28: {  	v47 =	vadd.s32 s22, v10;
	[tilespmem:$0x70] =	vst v45  }
0x29: {  	vm0 =	vmmov $0xffff;
	s23 =	simm.s32 $0x180;
	[tilespmem:$0xF0] =	vst v47  }
0x2a: {  	[tilespmem:s23], [sflag:$0x1] =	stream.indirect_vreg.gather [hbm4b:s4+s1], $0x80, v42, vm0, $0xb8;
	[tilespmem:$0x18180] =	vst v63  }
0x2b: {  	s24 =	simm.s32 $0x980  }
0x2c: {  	[tilespmem:s24], [sflag:$0x1] =	stream.indirect_vreg.gather [hbm4b:s4+s1], $0x80, v46, vm0, $0xb8;
	[tilespmem:$0x18180] =	vst v63  }
0x2d: {  	v48 =	vld [tilespmem:$0x10];
	_ =	sdelay $0x4  }
0x2e: {  	v49 =	vshll.u32 v48, $0x1  }
0x2f: {  	v3 =	vand.u32 $0x7, v48;
	v4 =	vand.u32 $0xFFFFFFF0, v49  }
0x30: {  	v3 =	vor.u32 v3, v4  }
0x31: {  	v4 =	vperm.xlane v3, v36;
	_ =	sdelay $0x1  }
0x32: {  	v3 =	vperm.xlane v3, v40;
	v4 =	vadd.s32 v38, v4;
	_ =	sdelay $0x1  }
0x33: {  	v3 =	vadd.s32 v38, v3;
	_ =	sdelay $0x1  }
0x34: {  	s25 =	simm.s32 $0x1180  }
0x35: {  	[tilespmem:s25], [sflag:$0x1] =	stream.indirect_vreg.gather [hbm4b:s4+s1], $0x80, v4, vm0, $0xb8;
	[tilespmem:$0x18180] =	vst v63  }
0x36: {  	s26 =	simm.s32 $0x1980  }
0x37: {  	[tilespmem:s26], [sflag:$0x1] =	stream.indirect_vreg.gather [hbm4b:s4+s1], $0x80, v3, vm0, $0xb8;
	[tilespmem:$0x18180] =	vst v63  }
0x38: {  	v3 =	vld [tilespmem:$0x20];
	_ =	sdelay $0x4  }
0x39: {  	v50 =	vshll.u32 v3, $0x1  }
0x3a: {  	v3 =	vand.u32 $0x7, v3;
	v4 =	vand.u32 $0xFFFFFFF0, v50  }
0x3b: {  	v3 =	vor.u32 v3, v4  }
0x3c: {  	v4 =	vperm.xlane v3, v36;
	_ =	sdelay $0x1  }
0x3d: {  	v3 =	vperm.xlane v3, v40;
	v4 =	vadd.s32 v38, v4;
	_ =	sdelay $0x1  }
0x3e: {  	v3 =	vadd.s32 v38, v3;
	_ =	sdelay $0x1  }
0x3f: {  	s28 =	simm.s32 $0x2180  }
0x40: {  	[tilespmem:s28], [sflag:$0x1] =	stream.indirect_vreg.gather [hbm4b:s4+s1], $0x80, v4, vm0, $0xb8;
	[tilespmem:$0x18180] =	vst v63  }
0x41: {  	s29 =	simm.s32 $0x2980  }
0x42: {  	[tilespmem:s29], [sflag:$0x1] =	stream.indirect_vreg.gather [hbm4b:s4+s1], $0x80, v3, vm0, $0xb8;
	[tilespmem:$0x18180] =	vst v63  }
0x43: {  	v3 =	vld [tilespmem:$0x30];
	_ =	sdelay $0x4  }
0x44: {  	v51 =	vshll.u32 v3, $0x1  }
0x45: {  	v3 =	vand.u32 $0x7, v3;
	v4 =	vand.u32 $0xFFFFFFF0, v51  }
0x46: {  	v3 =	vor.u32 v3, v4  }
0x47: {  	v4 =	vperm.xlane v3, v36;
	_ =	sdelay $0x1  }
0x48: {  	v3 =	vperm.xlane v3, v40;
	v4 =	vadd.s32 v38, v4;
	_ =	sdelay $0x1  }
0x49: {  	v3 =	vadd.s32 v38, v3;
	_ =	sdelay $0x1  }
0x4a: {  	s30 =	simm.s32 $0x3180  }
0x4b: {  	[tilespmem:s30], [sflag:$0x1] =	stream.indirect_vreg.gather [hbm4b:s4+s1], $0x80, v4, vm0, $0xb8;
	[tilespmem:$0x18180] =	vst v63  }
0x4c: {  	s31 =	simm.s32 $0x3980  }
0x4d: {  	[tilespmem:s31], [sflag:$0x1] =	stream.indirect_vreg.gather [hbm4b:s4+s1], $0x80, v3, vm0, $0xb8;
	[tilespmem:$0x18180] =	vst v63  }
0x4e: {  	v3 =	vld [tilespmem:$0x40];
	_ =	sdelay $0x4  }
0x4f: {  	v52 =	vshll.u32 v3, $0x1  }
0x50: {  	v3 =	vand.u32 $0x7, v3;
	v4 =	vand.u32 $0xFFFFFFF0, v52  }
0x51: {  	v3 =	vor.u32 v3, v4  }
0x52: {  	v4 =	vperm.xlane v3, v36;
	_ =	sdelay $0x1  }
0x53: {  	v3 =	vperm.xlane v3, v40;
	v4 =	vadd.s32 v38, v4;
	_ =	sdelay $0x1  }
0x54: {  	v3 =	vadd.s32 v38, v3;
	_ =	sdelay $0x1  }
0x55: {  	s6 =	simm.s32 $0x4180  }
0x56: {  	[tilespmem:s6], [sflag:$0x1] =	stream.indirect_vreg.gather [hbm4b:s4+s1], $0x80, v4, vm0, $0xb8;
	[tilespmem:$0x18180] =	vst v63  }
0x57: {  	s7 =	simm.s32 $0x4980  }
0x58: {  	[tilespmem:s7], [sflag:$0x1] =	stream.indirect_vreg.gather [hbm4b:s4+s1], $0x80, v3, vm0, $0xb8;
	[tilespmem:$0x18180] =	vst v63  }
0x59: {  	v3 =	vld [tilespmem:$0x50];
	_ =	sdelay $0x4  }
0x5a: {  	v53 =	vshll.u32 v3, $0x1  }
0x5b: {  	v3 =	vand.u32 $0x7, v3;
	v4 =	vand.u32 $0xFFFFFFF0, v53  }
0x5c: {  	v3 =	vor.u32 v3, v4  }
0x5d: {  	v4 =	vperm.xlane v3, v36;
	_ =	sdelay $0x1  }
0x5e: {  	v3 =	vperm.xlane v3, v40;
	v4 =	vadd.s32 v38, v4;
	_ =	sdelay $0x1  }
0x5f: {  	v3 =	vadd.s32 v38, v3;
	_ =	sdelay $0x1  }
0x60: {  	s8 =	simm.s32 $0x5180  }
0x61: {  	[tilespmem:s8], [sflag:$0x1] =	stream.indirect_vreg.gather [hbm4b:s4+s1], $0x80, v4, vm0, $0xb8;
	[tilespmem:$0x18180] =	vst v63  }
0x62: {  	s9 =	simm.s32 $0x5980  }
0x63: {  	[tilespmem:s9], [sflag:$0x1] =	stream.indirect_vreg.gather [hbm4b:s4+s1], $0x80, v3, vm0, $0xb8;
	[tilespmem:$0x18180] =	vst v63  }
0x64: {  	v3 =	vld [tilespmem:$0x60];
	_ =	sdelay $0x4  }
0x65: {  	v54 =	vshll.u32 v3, $0x1  }
0x66: {  	v3 =	vand.u32 $0x7, v3;
	v4 =	vand.u32 $0xFFFFFFF0, v54  }
0x67: {  	v3 =	vor.u32 v3, v4  }
0x68: {  	v4 =	vperm.xlane v3, v36;
	_ =	sdelay $0x1  }
0x69: {  	v3 =	vperm.xlane v3, v40;
	v4 =	vadd.s32 v38, v4;
	_ =	sdelay $0x1  }
0x6a: {  	v3 =	vadd.s32 v38, v3;
	_ =	sdelay $0x1  }
0x6b: {  	s10 =	simm.s32 $0x6180  }
0x6c: {  	[tilespmem:s10], [sflag:$0x1] =	stream.indirect_vreg.gather [hbm4b:s4+s1], $0x80, v4, vm0, $0xb8;
	[tilespmem:$0x18180] =	vst v63  }
0x6d: {  	s11 =	simm.s32 $0x6980  }
0x6e: {  	[tilespmem:s11], [sflag:$0x1] =	stream.indirect_vreg.gather [hbm4b:s4+s1], $0x80, v3, vm0, $0xb8;
	[tilespmem:$0x18180] =	vst v63  }
0x6f: {  	v3 =	vld [tilespmem:$0x70];
	_ =	sdelay $0x4  }
0x70: {  	v55 =	vshll.u32 v3, $0x1  }
0x71: {  	v3 =	vand.u32 $0x7, v3;
	v4 =	vand.u32 $0xFFFFFFF0, v55  }
0x72: {  	v3 =	vor.u32 v3, v4  }
0x73: {  	v4 =	vperm.xlane v3, v36;
	_ =	sdelay $0x1  }
0x74: {  	v3 =	vperm.xlane v3, v40;
	v4 =	vadd.s32 v38, v4;
	_ =	sdelay $0x1  }
0x75: {  	v3 =	vadd.s32 v38, v3;
	_ =	sdelay $0x1  }
0x76: {  	s12 =	simm.s32 $0x7180  }
0x77: {  	[tilespmem:s12], [sflag:$0x1] =	stream.indirect_vreg.gather [hbm4b:s4+s1], $0x80, v4, vm0, $0xb8;
	[tilespmem:$0x18180] =	vst v63  }
0x78: {  	s13 =	simm.s32 $0x7980  }
0x79: {  	[tilespmem:s13], [sflag:$0x1] =	stream.indirect_vreg.gather [hbm4b:s4+s1], $0x80, v3, vm0, $0xb8;
	[tilespmem:$0x18180] =	vst v63  }
0x7a: {  	v3 =	vld [tilespmem:$0x80];
	_ =	sdelay $0x4  }
0x7b: {  	v56 =	vshll.u32 v3, $0x1  }
0x7c: {  	v3 =	vand.u32 $0x7, v3;
	v4 =	vand.u32 $0xFFFFFFF0, v56  }
0x7d: {  	v3 =	vor.u32 v3, v4  }
0x7e: {  	v4 =	vperm.xlane v3, v36;
	_ =	sdelay $0x1  }
0x7f: {  	v3 =	vperm.xlane v3, v40;
	v4 =	vadd.s32 v38, v4;
	_ =	sdelay $0x1  }
0x80: {  	v3 =	vadd.s32 v38, v3;
	_ =	sdelay $0x1  }
0x81: {  	s14 =	simm.s32 $0x8180  }
0x82: {  	[tilespmem:s14], [sflag:$0x1] =	stream.indirect_vreg.gather [hbm4b:s4+s1], $0x80, v4, vm0, $0xb8;
	[tilespmem:$0x18180] =	vst v63  }
0x83: {  	s15 =	simm.s32 $0x8980  }
0x84: {  	[tilespmem:s15], [sflag:$0x1] =	stream.indirect_vreg.gather [hbm4b:s4+s1], $0x80, v3, vm0, $0xb8;
	[tilespmem:$0x18180] =	vst v63  }
0x85: {  	v3 =	vld [tilespmem:$0x90];
	_ =	sdelay $0x4  }
0x86: {  	v57 =	vshll.u32 v3, $0x1  }
0x87: {  	v3 =	vand.u32 $0x7, v3;
	v4 =	vand.u32 $0xFFFFFFF0, v57  }
0x88: {  	v3 =	vor.u32 v3, v4  }
0x89: {  	v4 =	vperm.xlane v3, v36;
	_ =	sdelay $0x1  }
0x8a: {  	v3 =	vperm.xlane v3, v40;
	v4 =	vadd.s32 v38, v4;
	_ =	sdelay $0x1  }
0x8b: {  	v3 =	vadd.s32 v38, v3;
	_ =	sdelay $0x1  }
0x8c: {  	s16 =	simm.s32 $0x9180  }
0x8d: {  	[tilespmem:s16], [sflag:$0x1] =	stream.indirect_vreg.gather [hbm4b:s4+s1], $0x80, v4, vm0, $0xb8;
	[tilespmem:$0x18180] =	vst v63  }
0x8e: {  	s17 =	simm.s32 $0x9980  }
0x8f: {  	[tilespmem:s17], [sflag:$0x1] =	stream.indirect_vreg.gather [hbm4b:s4+s1], $0x80, v3, vm0, $0xb8;
	[tilespmem:$0x18180] =	vst v63  }
0x90: {  	v3 =	vld [tilespmem:$0xA0];
	_ =	sdelay $0x4  }
0x91: {  	v58 =	vshll.u32 v3, $0x1  }
0x92: {  	v3 =	vand.u32 $0x7, v3;
	v4 =	vand.u32 $0xFFFFFFF0, v58  }
0x93: {  	v3 =	vor.u32 v3, v4  }
0x94: {  	v4 =	vperm.xlane v3, v36;
	_ =	sdelay $0x1  }
0x95: {  	v3 =	vperm.xlane v3, v40;
	v4 =	vadd.s32 v38, v4;
	_ =	sdelay $0x1  }
0x96: {  	v3 =	vadd.s32 v38, v3;
	_ =	sdelay $0x1  }
0x97: {  	s18 =	simm.s32 $0xA180  }
0x98: {  	[tilespmem:s18], [sflag:$0x1] =	stream.indirect_vreg.gather [hbm4b:s4+s1], $0x80, v4, vm0, $0xb8;
	[tilespmem:$0x18180] =	vst v63  }
0x99: {  	s19 =	simm.s32 $0xA980  }
0x9a: {  	[tilespmem:s19], [sflag:$0x1] =	stream.indirect_vreg.gather [hbm4b:s4+s1], $0x80, v3, vm0, $0xb8;
	[tilespmem:$0x18180] =	vst v63  }
0x9b: {  	v3 =	vld [tilespmem:$0xB0];
	_ =	sdelay $0x4  }
0x9c: {  	v59 =	vshll.u32 v3, $0x1  }
0x9d: {  	v3 =	vand.u32 $0x7, v3;
	v4 =	vand.u32 $0xFFFFFFF0, v59  }
0x9e: {  	v3 =	vor.u32 v3, v4  }
0x9f: {  	v4 =	vperm.xlane v3, v36;
	_ =	sdelay $0x1  }
0xa0: {  	v3 =	vperm.xlane v3, v40;
	v4 =	vadd.s32 v38, v4;
	_ =	sdelay $0x1  }
0xa1: {  	v3 =	vadd.s32 v38, v3;
	_ =	sdelay $0x1  }
0xa2: {  	s20 =	simm.s32 $0xB180  }
0xa3: {  	[tilespmem:s20], [sflag:$0x1] =	stream.indirect_vreg.gather [hbm4b:s4+s1], $0x80, v4, vm0, $0xb8;
	[tilespmem:$0x18180] =	vst v63  }
0xa4: {  	s21 =	simm.s32 $0xB980  }
0xa5: {  	[tilespmem:s21], [sflag:$0x1] =	stream.indirect_vreg.gather [hbm4b:s4+s1], $0x80, v3, vm0, $0xb8;
	[tilespmem:$0x18180] =	vst v63  }
0xa6: {  	v3 =	vld [tilespmem:$0xC0];
	_ =	sdelay $0x4  }
0xa7: {  	v60 =	vshll.u32 v3, $0x1  }
0xa8: {  	v3 =	vand.u32 $0x7, v3;
	v4 =	vand.u32 $0xFFFFFFF0, v60  }
0xa9: {  	v3 =	vor.u32 v3, v4  }
0xaa: {  	v4 =	vperm.xlane v3, v36;
	_ =	sdelay $0x1  }
0xab: {  	v3 =	vperm.xlane v3, v40;
	v4 =	vadd.s32 v38, v4;
	_ =	sdelay $0x1  }
0xac: {  	v3 =	vadd.s32 v38, v3;
	_ =	sdelay $0x1  }
0xad: {  	s22 =	simm.s32 $0xC180  }
0xae: {  	[tilespmem:s22], [sflag:$0x1] =	stream.indirect_vreg.gather [hbm4b:s4+s1], $0x80, v4, vm0, $0xb8;
	[tilespmem:$0x18180] =	vst v63  }
0xaf: {  	s23 =	simm.s32 $0xC980  }
0xb0: {  	[tilespmem:s23], [sflag:$0x1] =	stream.indirect_vreg.gather [hbm4b:s4+s1], $0x80, v3, vm0, $0xb8;
	[tilespmem:$0x18180] =	vst v63  }
0xb1: {  	v3 =	vld [tilespmem:$0xD0];
	_ =	sdelay $0x4  }
0xb2: {  	v61 =	vshll.u32 v3, $0x1  }
0xb3: {  	v3 =	vand.u32 $0x7, v3;
	v4 =	vand.u32 $0xFFFFFFF0, v61  }
0xb4: {  	v3 =	vor.u32 v3, v4  }
0xb5: {  	v4 =	vperm.xlane v3, v36;
	_ =	sdelay $0x1  }
0xb6: {  	v3 =	vperm.xlane v3, v40;
	v4 =	vadd.s32 v38, v4;
	_ =	sdelay $0x1  }
0xb7: {  	v3 =	vadd.s32 v38, v3;
	_ =	sdelay $0x1  }
0xb8: {  	s24 =	simm.s32 $0xD180  }
0xb9: {  	[tilespmem:s24], [sflag:$0x1] =	stream.indirect_vreg.gather [hbm4b:s4+s1], $0x80, v4, vm0, $0xb8;
	[tilespmem:$0x18180] =	vst v63  }
0xba: {  	s25 =	simm.s32 $0xD980  }
0xbb: {  	[tilespmem:s25], [sflag:$0x1] =	stream.indirect_vreg.gather [hbm4b:s4+s1], $0x80, v3, vm0, $0xb8;
	[tilespmem:$0x18180] =	vst v63  }
0xbc: {  	v3 =	vld [tilespmem:$0xE0];
	_ =	sdelay $0x4  }
0xbd: {  	v62 =	vshll.u32 v3, $0x1  }
0xbe: {  	v3 =	vand.u32 $0x7, v3;
	v4 =	vand.u32 $0xFFFFFFF0, v62  }
0xbf: {  	v3 =	vor.u32 v3, v4  }
0xc0: {  	v4 =	vperm.xlane v3, v36;
	_ =	sdelay $0x1  }
0xc1: {  	v3 =	vperm.xlane v3, v40;
	v4 =	vadd.s32 v38, v4;
	_ =	sdelay $0x1  }
0xc2: {  	v3 =	vadd.s32 v38, v3;
	_ =	sdelay $0x1  }
0xc3: {  	s26 =	simm.s32 $0xE180  }
0xc4: {  	[tilespmem:s26], [sflag:$0x1] =	stream.indirect_vreg.gather [hbm4b:s4+s1], $0x80, v4, vm0, $0xb8;
	[tilespmem:$0x18180] =	vst v63  }
0xc5: {  	s28 =	simm.s32 $0xE980  }
0xc6: {  	[tilespmem:s28], [sflag:$0x1] =	stream.indirect_vreg.gather [hbm4b:s4+s1], $0x80, v3, vm0, $0xb8;
	[tilespmem:$0x18180] =	vst v63  }
0xc7: {  	v3 =	vld [tilespmem:$0xF0];
	_ =	sdelay $0x4  }
0xc8: {  	v63 =	vshll.u32 v3, $0x1  }
0xc9: {  	v3 =	vand.u32 $0x7, v3;
	v4 =	vand.u32 $0xFFFFFFF0, v63  }
0xca: {  	v3 =	vor.u32 v3, v4  }
0xcb: {  	v0 =	vperm.xlane v3, v36;
	_ =	sdelay $0x1  }
0xcc: {  	v2 =	vperm.xlane v3, v40;
	v0 =	vadd.s32 v38, v0;
	_ =	sdelay $0x1  }
0xcd: {  	v1 =	vadd.s32 v38, v2;
	_ =	sdelay $0x1  }
0xce: {  	s29 =	simm.s32 $0xF180  }
0xcf: {  	[tilespmem:s29], [sflag:$0x1] =	stream.indirect_vreg.gather [hbm4b:s4+s1], $0x80, v0, vm0, $0xb8;
	[tilespmem:$0x18180] =	vst v63  }
0xd0: {  	s30 =	simm.s32 $0xF980;
	s31 =	simm.s32 $0x1  }
0xd1: {  	[tilespmem:s30], [sflag:$0x1] =	stream.indirect_vreg.gather [hbm4b:s4+s1], $0x80, v1, vm0, $0xb8;
	[tilespmem:$0x18180] =	vst v63  }
0xd2: {  	_ =	swait.ge [sflag:s31], $0x8000  }
0xd3: {  	[sflag:s31] =	ssyncset.done $0x0  }
0xd4: {  	[sflag:s31] =	ssyncadd.s32 $0xFFFF8000  }
0xd5: {  	_ =	swait.ge [sflag:s31], $0x8000  }
0xd6: {  	[sflag:s31] =	ssyncset.done $0x0  }
0xd7: {  	s3 =	sadd.s32 $0x400, s3;
	[sflag:s31] =	ssyncadd.s32 $0xFFFF8000  }
.LBB2_1:
0xd8: {  	s4 =	sshll.u32 s1, $0x4  }
0xd9: {  	s5 =	simm.s32 $0x0;
	v0 =	vld [tilespmem:s4+$0x100]  }
.LBB2_2:
0xda: {  	s6 =	sadd.s32 s4, s5  }
0xdb: {  	s7 =	sshll.u32 s5, $0x7;
	s6 =	sshll.u32 s6, $0x8  }
0xdc: {  	s8 =	simm.s32 $0x0;
	s7 =	sand.u32 $0x380, s7;
	s6 =	sand.u32 $0x7800, s6  }
0xdd: {  	s9 =	sand.u32 $0x400, s8;
	s7 =	sor.u32 s7, s6  }
0xde: {  	s10 =	sand.u32 $0x70, s8;
	s6 =	sadd.s32 $0x8180, s7;
	s30 =	sor.u32 s9, s7  }
0xdf: {  	s8 =	sor.u32 s10, s30;
	s9 =	sadd.s32 s9, s6  }
0xe0: {  	v3 =	vld [tilespmem:s8+$0x180];
	s9 =	sadd.s32 s10, s9  }
0xe1: {  	v1 =	vmov s5;
	v4 =	vld [tilespmem:s9+$0x0]  }
0xe2: {  	v1 =	vperm.xlane v0, v1;
	_ =	sdelay $0x1  }
0xe3: {  	v2 =	vsub.f32 $1.000000000e+00, v1;
	_ =	sdelay $0x1  }
0xe4: {  	s9 =	simm.s32 $0x80;
	v3 =	vmul.f32 v3, v1;
	v4 =	vmul.f32 v4, v2  }
0xe5: {  	s31 =	simm.s32 $0x10;
	s12 =	sand.u32 $0x400, s9  }
0xe6: {  	s11 =	sand.u32 $0x70, s31;
	s10 =	simm.s32 $0x20;
	s13 =	sor.u32 s12, s7;
	v3 =	vadd.f32 v4, v3  }
.LBB2_3:
0xe7: {  	p0 =	sne.s32 s10, $0xF0;
	s13 =	sor.u32 s11, s13;
	s12 =	sadd.s32 s12, s6  }
0xe8: {  	v4 =	vld [tilespmem:s13+$0x180];
	s11 =	sadd.s32 s11, s12;
	[tilespmem:s8+$0x10180] =	vst v3;
	s8 =	smov.u32 s13  }
0xe9: {  	v3 =	vld [tilespmem:s11+$0x0];
	_ =	sdelay $0x2  }
.Ltmp0:
0xea: {  	(pc) =	sbr.rel @p0 .LBB2_3-.Ltmp0, $4  }
0xeb: {  	_ = 	snop  }
0xec: {  	s9 =	sadd.s32 $0x80, s9;
	v4 =	vmul.f32 v4, v1;
	v3 =	vmul.f32 v3, v2  }
0xed: {  	s12 =	sand.u32 $0x400, s9  }
0xee: {  	s11 =	sand.u32 $0x70, s10;
	s13 =	sor.u32 s12, s7;
	s10 =	sadd.s32 $0x10, s10;
	v3 =	vadd.f32 v3, v4  }
0xef: {  	s7 =	sor.u32 s11, s13;
	s6 =	sadd.s32 s12, s6  }
0xf0: {  	v4 =	vld [tilespmem:s7+$0x180];
	s6 =	sadd.s32 s11, s6;
	[tilespmem:s8+$0x10180] =	vst v3  }
0xf1: {  	v3 =	vld [tilespmem:s6+$0x0];
	_ =	sdelay $0x2  }
0xf2: {  	s5 =	sadd.s32 $0x1, s5  }
0xf3: {  	p0 =	sne.s32 s5, $0x10  }
.Ltmp1:
0xf4: {  	v1 =	vmul.f32 v4, v1;
	v2 =	vmul.f32 v3, v2;
	(pc) =	sbr.rel @p0 .LBB2_2-.Ltmp1, $3  }
0xf5: {  	_ = 	snop  }
0xf6: {  	v1 =	vadd.f32 v2, v1;
	_ =	sdelay $0x1  }
0xf7: {  	[tilespmem:s7+$0x10180] =	vst v1  }
0xf8: {  	s1 =	sadd.s32 $0x1, s1  }
0xf9: {  	p0 =	sne.s32 s1, $0x8  }
.Ltmp2:
0xfa: {  	_ = 	snop;
	(pc) =	sbr.rel @p0 .LBB2_1-.Ltmp2, $1  }
0xfb: {  	_ =	sdelay $0x3  }
0xfc: {  	s1 =	sshll.u32 s2, $0xC;
	s30 =	simm.s32 $0x0  }
0xfd: {  	s4 =	simm.s32 $0x10180;
	s31 =	simm.s32 $0x2;
	s1 =	sadd.s32 s3, s1  }
0xfe: {  	[hbm4b:s1+s30] =	stream.linear.scatter [tilespmem:s4], [sflag:$0x2], $0x8000, $0x38;
	[tilespmem:$0x18180] =	vst v63  }
0xff: {  	_ =	swait.ge [sflag:s31], $0x8000  }
0x100: {  	[sflag:s31] =	ssyncset.done $0x0  }
0x101: {  	[sflag:s31] =	ssyncadd.s32 $0xFFFF8000  }
0x102: {  	_ =	sfence.sel $0x180000  }
0x103: {  	[bflag:$0x0] =	sbarrier.arrive $0xFFFF  }
0x104: {  	p0 =	sne.s32 s2, $0x0;
	_ =	strace $0x90000047  }
0x105: {  	s0 =	sadd.s32 @!p0 $0x100000, s0;
	[bflag:$0x2] =	sbarrier.arrive $0xFFFF  }
0x106: {  	[sflag:s0] =	ssyncadd.tile.s32 @!p0 $0x1;
	_ =	shalt  }
.Lfunc_end2:
_tile_overlayer_lowered:
.L_overlay_start_2:
0x107: {  	(tag) =	ssettag $0x2  }
0x108: {  	s0 =	rddreg [dreg:$0x0];
	s2 =	stileid.u32  }
0x109: {  	s1 =	rddreg [dreg:$0x1];
	p0 =	sne.s32 s2, $0x0  }
0x10a: {  	s3 =	rddreg [dreg:$0x2];
	[bflag:$0x3] =	sbarrier.arrive $0xFFFF;
	s2 =	simm.s32 @!p0 $0x1C02  }
0x10b: {  	[timem:s3], [sflag:s2] =	dma.local @!p0 [hbm:s0], s1  }
0x10c: {  	s0 =	simm.s32 @!p0 $0x2  }
0x10d: {  	_ =	swait.ge @!p0 [sflag:s0], s1  }
0x10e: {  	s1 =	ssub.s32 @!p0 $0x0, s1;
	[sflag:s0] =	ssyncset.done @!p0 $0x0  }
0x10f: {  	[sflag:s0] =	ssyncadd.s32 @!p0 s1  }
0x110: {  	[bflag:$0x3] =	sbarrier.arrive $0xFFFF  }
0x111: {  	_ =	shalt  }

</sc_bundles>
